<compile_context>
chip_gen: v7x
topology: tpu7x:2x2x1
jax: 0.10.2.dev20260603
libtpu: 0.0.44.dev20260713+nightly
codegen_flags: <defaults>
</compile_context>

<pallas_src>
import functools

import jax
import jax.numpy as jnp
from jax import lax
from jax.experimental import pallas as pl
from jax.experimental.pallas import tpu as pltpu
from jax.experimental.pallas import tpu_sc as plsc

VOCAB = 1000000
DIM = 32
BATCH = 4096
HIST = 50
B = BATCH * HIST

NC = 2
NS = 16
NW = NC * NS
BPW = B // NW
C = 1280
NCHUNK = BPW // C

TBLK = 16384
QBLKS = (VOCAB + 4 * TBLK - 1) // (4 * TBLK)
QPAD = QBLKS * TBLK
SRC_LAST_BLK = (VOCAB - 1) // TBLK


def _tp_body(q0, q1, q2, q3, o_ref):
    x = jnp.concatenate([q0[...], q1[...], q2[...], q3[...]], axis=0)
    o_ref[...] = x.T


def _q_spec(a):
    return pl.BlockSpec(
        (DIM, TBLK),
        lambda i, a=a: (0, jnp.minimum(a * QBLKS + i, SRC_LAST_BLK)),
    )


_transpose = pl.pallas_call(
    _tp_body,
    grid=(QBLKS,),
    in_specs=[_q_spec(a) for a in range(4)],
    out_specs=pl.BlockSpec((TBLK, 128), lambda i: (i, 0)),
    out_shape=jax.ShapeDtypeStruct((QPAD, 128), jnp.float32),
)

OBLK = 1024


def _tpo_body(x_ref, o_ref):
    o_ref[...] = x_ref[...].T


_transpose_out = pl.pallas_call(
    _tpo_body,
    grid=(BATCH // OBLK,),
    in_specs=[pl.BlockSpec((OBLK, HIST * DIM), lambda i: (i, 0))],
    out_specs=pl.BlockSpec((HIST * DIM, OBLK), lambda i: (0, i)),
    out_shape=jax.ShapeDtypeStruct((HIST * DIM, BATCH), jnp.float32),
)

VROWS = 4 * QPAD

_mesh = plsc.VectorSubcoreMesh(core_axis_name="c", subcore_axis_name="s")


@functools.partial(
    pl.kernel,
    out_type=jax.ShapeDtypeStruct((B, DIM), jnp.float32),
    mesh=_mesh,
    scratch_types=[
        pltpu.VMEM((BPW,), jnp.int32),
        pltpu.VMEM((2, C, DIM), jnp.float32),
        pltpu.SemaphoreType.DMA,
        pltpu.SemaphoreType.DMA,
    ],
    compiler_params=pltpu.CompilerParams(use_tc_tiling_on_sc=False),
)
def _sc_gather(idx_hbm, table_hbm, out_hbm, idx_v, rows_v, sem0, sem1):
    wid = lax.axis_index("s") * NC + lax.axis_index("c")
    base = wid * BPW
    pltpu.sync_copy(idx_hbm.at[pl.ds(base, BPW)], idx_v)

    sems = (sem0, sem1)

    def issue(j, slot):
        return pltpu.async_copy(
            table_hbm.at[idx_v.at[pl.ds(j * C, C)]], rows_v.at[slot], sems[slot]
        )

    issue(0, 0)
    for j in range(NCHUNK):
        slot = j % 2
        if j + 1 < NCHUNK:
            issue(j + 1, 1 - slot)
        pltpu.make_async_copy(
            table_hbm.at[idx_v.at[pl.ds(j * C, C)]], rows_v.at[slot], sems[slot]
        ).wait()
        pltpu.sync_copy(rows_v.at[slot], out_hbm.at[pl.ds(base + j * C, C)])


def kernel(inputs, table):
    idx_v = (inputs % QPAD) * 4 + inputs // QPAD
    table_t = table.T
    packed = _transpose(table_t, table_t, table_t, table_t)
    table_view = packed.reshape(VROWS, DIM)
    out = _sc_gather(idx_v.reshape(B), table_view)
    out2 = _transpose_out(out.reshape(BATCH, HIST * DIM))
    return out2.reshape(HIST, DIM, BATCH).transpose(2, 0, 1)

# --- scband reference (transcript-rebuilt; emitter-appended) ---
"""Pipeline reference for scband-text-field-embedder-tokens-22497038696562 (READ-ONLY COPY).

The authoritative reference and input builder live on the scoring server;
editing this copy changes nothing except your own understanding.
"""

import jax, jax.numpy as jnp
import numpy as np

VOCAB = 1000000
DIM = 32
BATCH = 4096
HIST = 50

def setup_inputs(seed: int = 0) -> dict:
    key = jax.random.key(seed)
    k_idx, k_tab = jax.random.split(key)
    inputs = jax.random.randint(k_idx, (BATCH, HIST), 0, VOCAB, dtype=jnp.int64 if jax.config.jax_enable_x64 else jnp.int32).astype(jnp.int32)
    table = jax.random.normal(k_tab, (VOCAB, DIM), dtype=jnp.float32)
    return {"inputs": inputs, "table": table}

def reference(inputs, table):
    # nn.Embedding lookup: table[inputs]
    # Dropout with p=0.0 (and at inference time) is the identity, so it is omitted.
    out = jnp.take(table, inputs, axis=0)
    return out

if __name__ == "__main__":
    import jax
    _d = setup_inputs()
    print(jax.jit(kernel)(*tuple(_d.values())))

</pallas_src>

<mosaic_0001>
#map = affine_map<(d0, d1) -> (0)>
#map1 = affine_map<(d0, d1) -> (0, 0)>
module attributes {stable_mosaic.version = 14 : i64} {
  func.func @_sc_gather(%arg0: i32, %arg1: i32, %arg2: memref<204800xi32, #tpu.memory_space<hbm>>, %arg3: memref<1048576x32xf32, #tpu.memory_space<hbm>>, %arg4: memref<204800x32xf32, #tpu.memory_space<hbm>>, %arg5: memref<6400xi32, #tpu.memory_space<vmem>>, %arg6: memref<2x1280x32xf32, #tpu.memory_space<vmem>>, %arg7: memref<!tpu.dma_semaphore, #tpu.memory_space<semaphore_mem>>, %arg8: memref<!tpu.dma_semaphore, #tpu.memory_space<semaphore_mem>>) attributes {dimension_semantics = [#tpu.dimension_semantics<core_parallel>, #tpu.dimension_semantics<subcore_parallel>], iteration_bounds = array<i64: 2, 16>, scalar_prefetch = 0 : i64, scratch_operands = 4 : i64, tpu.core_type = #tpu.core_type<sc_vector_subcore>, window_params = [{transform_indices = #map}, {transform_indices = #map1}, {transform_indices = #map1}]} {
    %mul3A = arith.constant 2 : i32
    %mul3A_0 = arith.muli %arg1, %mul3A : i32
    %add3A = arith.addi %mul3A_0, %arg0 : i32
    %mul3A_1 = arith.constant 6400 : i32
    %mul3A_2 = arith.muli %add3A, %mul3A_1 : i32
    "tpu.region"() ({
      %run_scoped3A_115 = tpu.sem_alloc : memref<!tpu.dma_semaphore, #tpu.memory_space<semaphore_mem>>
      %dma_start3A_116 = tpu.memref_slice %arg2[%mul3A_2] : memref<204800xi32, #tpu.memory_space<hbm>> -> memref<6400xi32, #tpu.memory_space<hbm>>
      %dma_start3A_117 = tpu.memref_slice %arg2[%mul3A_2] : memref<204800xi32, #tpu.memory_space<hbm>> -> memref<6400xi32, #tpu.memory_space<hbm>>
      tpu.enqueue_dma source(%dma_start3A_117 : memref<6400xi32, #tpu.memory_space<hbm>>) target(%arg5 : memref<6400xi32, #tpu.memory_space<vmem>>) target_semaphore(%run_scoped3A_115 : memref<!tpu.dma_semaphore, #tpu.memory_space<semaphore_mem>>)
      %dma_wait3A_118 = tpu.memref_slice %arg2[%mul3A_2] : memref<204800xi32, #tpu.memory_space<hbm>> -> memref<6400xi32, #tpu.memory_space<hbm>>
      %dma_wait3A_119 = tpu.memref_slice %arg2[%mul3A_2] : memref<204800xi32, #tpu.memory_space<hbm>> -> memref<6400xi32, #tpu.memory_space<hbm>>
      tpu.wait_dma2 semaphore(%run_scoped3A_115 : memref<!tpu.dma_semaphore, #tpu.memory_space<semaphore_mem>>) src(%dma_wait3A_119 : memref<6400xi32, #tpu.memory_space<hbm>>) dst(%arg5 : memref<6400xi32, #tpu.memory_space<vmem>>)
      tpu.yield
    }) : () -> ()
    %dma_start3A = arith.constant 0 : i32
    %dma_start3A_3 = arith.constant 0 : i32
    %dma_start3A_4 = arith.constant 0 : i32
    %dma_start3A_5 = tpu.memref_slice %arg6[%dma_start3A, %dma_start3A_3, %dma_start3A_4] : memref<2x1280x32xf32, #tpu.memory_space<vmem>> -> memref<1x1280x32xf32, #tpu.memory_space<vmem>>
    %dma_start3A_6 = tpu.memref_squeeze %dma_start3A_5 : memref<1x1280x32xf32, #tpu.memory_space<vmem>> -> memref<1280x32xf32, #tpu.memory_space<vmem>>
    %dma_start3A_7 = arith.constant 0 : i32
    %dma_start3A_8 = tpu.memref_slice %arg5[%dma_start3A_7] : memref<6400xi32, #tpu.memory_space<vmem>> -> memref<1280xi32, #tpu.memory_space<vmem>>
    %dma_start3A_9 = arith.constant 0 : i32
    %dma_start3A_10 = arith.constant 0 : i32
    %dma_start3A_11 = tpu.memref_slice %arg3[%dma_start3A_9, %dma_start3A_10] : memref<1048576x32xf32, #tpu.memory_space<hbm>> -> memref<1048576x32xf32, #tpu.memory_space<hbm>>
    tpu.enqueue_indirect_dma source(%dma_start3A_11 : memref<1048576x32xf32, #tpu.memory_space<hbm>>) target(%dma_start3A_6 : memref<1280x32xf32, #tpu.memory_space<vmem>>) offsets(%dma_start3A_8 : memref<1280xi32, #tpu.memory_space<vmem>>) semaphore(%arg7 : memref<!tpu.dma_semaphore, #tpu.memory_space<semaphore_mem>>)
    %dma_start3A_12 = arith.constant 1 : i32
    %dma_start3A_13 = arith.constant 0 : i32
    %dma_start3A_14 = arith.constant 0 : i32
    %dma_start3A_15 = tpu.memref_slice %arg6[%dma_start3A_12, %dma_start3A_13, %dma_start3A_14] : memref<2x1280x32xf32, #tpu.memory_space<vmem>> -> memref<1x1280x32xf32, #tpu.memory_space<vmem>>
    %dma_start3A_16 = tpu.memref_squeeze %dma_start3A_15 : memref<1x1280x32xf32, #tpu.memory_space<vmem>> -> memref<1280x32xf32, #tpu.memory_space<vmem>>
    %dma_start3A_17 = arith.constant 1280 : i32
    %dma_start3A_18 = tpu.memref_slice %arg5[%dma_start3A_17] : memref<6400xi32, #tpu.memory_space<vmem>> -> memref<1280xi32, #tpu.memory_space<vmem>>
    %dma_start3A_19 = arith.constant 0 : i32
    %dma_start3A_20 = arith.constant 0 : i32
    %dma_start3A_21 = tpu.memref_slice %arg3[%dma_start3A_19, %dma_start3A_20] : memref<1048576x32xf32, #tpu.memory_space<hbm>> -> memref<1048576x32xf32, #tpu.memory_space<hbm>>
    tpu.enqueue_indirect_dma source(%dma_start3A_21 : memref<1048576x32xf32, #tpu.memory_space<hbm>>) target(%dma_start3A_16 : memref<1280x32xf32, #tpu.memory_space<vmem>>) offsets(%dma_start3A_18 : memref<1280xi32, #tpu.memory_space<vmem>>) semaphore(%arg8 : memref<!tpu.dma_semaphore, #tpu.memory_space<semaphore_mem>>)
    %dma_wait3A = arith.constant 0 : i32
    %dma_wait3A_22 = arith.constant 0 : i32
    %dma_wait3A_23 = arith.constant 0 : i32
    %dma_wait3A_24 = tpu.memref_slice %arg6[%dma_wait3A, %dma_wait3A_22, %dma_wait3A_23] : memref<2x1280x32xf32, #tpu.memory_space<vmem>> -> memref<1x1280x32xf32, #tpu.memory_space<vmem>>
    %dma_wait3A_25 = tpu.memref_squeeze %dma_wait3A_24 : memref<1x1280x32xf32, #tpu.memory_space<vmem>> -> memref<1280x32xf32, #tpu.memory_space<vmem>>
    %dma_wait3A_26 = arith.constant 0 : i32
    %dma_wait3A_27 = tpu.memref_slice %arg5[%dma_wait3A_26] : memref<6400xi32, #tpu.memory_space<vmem>> -> memref<1280xi32, #tpu.memory_space<vmem>>
    %dma_wait3A_28 = arith.constant 0 : i32
    %dma_wait3A_29 = arith.constant 0 : i32
    %dma_wait3A_30 = tpu.memref_slice %arg3[%dma_wait3A_28, %dma_wait3A_29] : memref<1048576x32xf32, #tpu.memory_space<hbm>> -> memref<1048576x32xf32, #tpu.memory_space<hbm>>
    tpu.wait_indirect_dma semaphore(%arg7 : memref<!tpu.dma_semaphore, #tpu.memory_space<semaphore_mem>>) src(%dma_wait3A_30 : memref<1048576x32xf32, #tpu.memory_space<hbm>>) dst(%dma_wait3A_25 : memref<1280x32xf32, #tpu.memory_space<vmem>>)
    %add3A_31 = arith.constant 0 : i32
    %add3A_32 = arith.addi %mul3A_2, %add3A_31 : i32
    %run_scoped3A = arith.constant 0 : i32
    "tpu.region"() ({
      %run_scoped3A_115 = tpu.sem_alloc : memref<!tpu.dma_semaphore, #tpu.memory_space<semaphore_mem>>
      %dma_start3A_116 = arith.constant 0 : i32
      %dma_start3A_117 = arith.constant 0 : i32
      %dma_start3A_118 = tpu.memref_slice %arg6[%run_scoped3A, %dma_start3A_116, %dma_start3A_117] : memref<2x1280x32xf32, #tpu.memory_space<vmem>> -> memref<1x1280x32xf32, #tpu.memory_space<vmem>>
      %dma_start3A_119 = tpu.memref_squeeze %dma_start3A_118 : memref<1x1280x32xf32, #tpu.memory_space<vmem>> -> memref<1280x32xf32, #tpu.memory_space<vmem>>
      %dma_start3A_120 = arith.constant 0 : i32
      %dma_start3A_121 = tpu.memref_slice %arg4[%add3A_32, %dma_start3A_120] : memref<204800x32xf32, #tpu.memory_space<hbm>> -> memref<1280x32xf32, #tpu.memory_space<hbm>>
      %dma_start3A_122 = arith.constant 0 : i32
      %dma_start3A_123 = tpu.memref_slice %arg4[%add3A_32, %dma_start3A_122] : memref<204800x32xf32, #tpu.memory_space<hbm>> -> memref<1280x32xf32, #tpu.memory_space<hbm>>
      %dma_start3A_124 = arith.constant 0 : i32
      %dma_start3A_125 = arith.constant 0 : i32
      %dma_start3A_126 = tpu.memref_slice %arg6[%run_scoped3A, %dma_start3A_124, %dma_start3A_125] : memref<2x1280x32xf32, #tpu.memory_space<vmem>> -> memref<1x1280x32xf32, #tpu.memory_space<vmem>>
      %dma_start3A_127 = tpu.memref_squeeze %dma_start3A_126 : memref<1x1280x32xf32, #tpu.memory_space<vmem>> -> memref<1280x32xf32, #tpu.memory_space<vmem>>
      tpu.enqueue_dma source(%dma_start3A_127 : memref<1280x32xf32, #tpu.memory_space<vmem>>) target(%dma_start3A_123 : memref<1280x32xf32, #tpu.memory_space<hbm>>) target_semaphore(%run_scoped3A_115 : memref<!tpu.dma_semaphore, #tpu.memory_space<semaphore_mem>>)
      %dma_wait3A_128 = arith.constant 0 : i32
      %dma_wait3A_129 = arith.constant 0 : i32
      %dma_wait3A_130 = tpu.memref_slice %arg6[%run_scoped3A, %dma_wait3A_128, %dma_wait3A_129] : memref<2x1280x32xf32, #tpu.memory_space<vmem>> -> memref<1x1280x32xf32, #tpu.memory_space<vmem>>
      %dma_wait3A_131 = tpu.memref_squeeze %dma_wait3A_130 : memref<1x1280x32xf32, #tpu.memory_space<vmem>> -> memref<1280x32xf32, #tpu.memory_space<vmem>>
      %dma_wait3A_132 = arith.constant 0 : i32
      %dma_wait3A_133 = tpu.memref_slice %arg4[%add3A_32, %dma_wait3A_132] : memref<204800x32xf32, #tpu.memory_space<hbm>> -> memref<1280x32xf32, #tpu.memory_space<hbm>>
      %dma_wait3A_134 = arith.constant 0 : i32
      %dma_wait3A_135 = tpu.memref_slice %arg4[%add3A_32, %dma_wait3A_134] : memref<204800x32xf32, #tpu.memory_space<hbm>> -> memref<1280x32xf32, #tpu.memory_space<hbm>>
      %dma_wait3A_136 = arith.constant 0 : i32
      %dma_wait3A_137 = arith.constant 0 : i32
      %dma_wait3A_138 = tpu.memref_slice %arg6[%run_scoped3A, %dma_wait3A_136, %dma_wait3A_137] : memref<2x1280x32xf32, #tpu.memory_space<vmem>> -> memref<1x1280x32xf32, #tpu.memory_space<vmem>>
      %dma_wait3A_139 = tpu.memref_squeeze %dma_wait3A_138 : memref<1x1280x32xf32, #tpu.memory_space<vmem>> -> memref<1280x32xf32, #tpu.memory_space<vmem>>
      tpu.wait_dma2 semaphore(%run_scoped3A_115 : memref<!tpu.dma_semaphore, #tpu.memory_space<semaphore_mem>>) src(%dma_wait3A_139 : memref<1280x32xf32, #tpu.memory_space<vmem>>) dst(%dma_wait3A_135 : memref<1280x32xf32, #tpu.memory_space<hbm>>)
      tpu.yield
    }) : () -> ()
    %dma_start3A_33 = arith.constant 0 : i32
    %dma_start3A_34 = arith.constant 0 : i32
    %dma_start3A_35 = arith.constant 0 : i32
    %dma_start3A_36 = tpu.memref_slice %arg6[%dma_start3A_33, %dma_start3A_34, %dma_start3A_35] : memref<2x1280x32xf32, #tpu.memory_space<vmem>> -> memref<1x1280x32xf32, #tpu.memory_space<vmem>>
    %dma_start3A_37 = tpu.memref_squeeze %dma_start3A_36 : memref<1x1280x32xf32, #tpu.memory_space<vmem>> -> memref<1280x32xf32, #tpu.memory_space<vmem>>
    %dma_start3A_38 = arith.constant 2560 : i32
    %dma_start3A_39 = tpu.memref_slice %arg5[%dma_start3A_38] : memref<6400xi32, #tpu.memory_space<vmem>> -> memref<1280xi32, #tpu.memory_space<vmem>>
    %dma_start3A_40 = arith.constant 0 : i32
    %dma_start3A_41 = arith.constant 0 : i32
    %dma_start3A_42 = tpu.memref_slice %arg3[%dma_start3A_40, %dma_start3A_41] : memref<1048576x32xf32, #tpu.memory_space<hbm>> -> memref<1048576x32xf32, #tpu.memory_space<hbm>>
    tpu.enqueue_indirect_dma source(%dma_start3A_42 : memref<1048576x32xf32, #tpu.memory_space<hbm>>) target(%dma_start3A_37 : memref<1280x32xf32, #tpu.memory_space<vmem>>) offsets(%dma_start3A_39 : memref<1280xi32, #tpu.memory_space<vmem>>) semaphore(%arg7 : memref<!tpu.dma_semaphore, #tpu.memory_space<semaphore_mem>>)
    %dma_wait3A_43 = arith.constant 1 : i32
    %dma_wait3A_44 = arith.constant 0 : i32
    %dma_wait3A_45 = arith.constant 0 : i32
    %dma_wait3A_46 = tpu.memref_slice %arg6[%dma_wait3A_43, %dma_wait3A_44, %dma_wait3A_45] : memref<2x1280x32xf32, #tpu.memory_space<vmem>> -> memref<1x1280x32xf32, #tpu.memory_space<vmem>>
    %dma_wait3A_47 = tpu.memref_squeeze %dma_wait3A_46 : memref<1x1280x32xf32, #tpu.memory_space<vmem>> -> memref<1280x32xf32, #tpu.memory_space<vmem>>
    %dma_wait3A_48 = arith.constant 1280 : i32
    %dma_wait3A_49 = tpu.memref_slice %arg5[%dma_wait3A_48] : memref<6400xi32, #tpu.memory_space<vmem>> -> memref<1280xi32, #tpu.memory_space<vmem>>
    %dma_wait3A_50 = arith.constant 0 : i32
    %dma_wait3A_51 = arith.constant 0 : i32
    %dma_wait3A_52 = tpu.memref_slice %arg3[%dma_wait3A_50, %dma_wait3A_51] : memref<1048576x32xf32, #tpu.memory_space<hbm>> -> memref<1048576x32xf32, #tpu.memory_space<hbm>>
    tpu.wait_indirect_dma semaphore(%arg8 : memref<!tpu.dma_semaphore, #tpu.memory_space<semaphore_mem>>) src(%dma_wait3A_52 : memref<1048576x32xf32, #tpu.memory_space<hbm>>) dst(%dma_wait3A_47 : memref<1280x32xf32, #tpu.memory_space<vmem>>)
    %add3A_53 = arith.constant 1280 : i32
    %add3A_54 = arith.addi %mul3A_2, %add3A_53 : i32
    %run_scoped3A_55 = arith.constant 1 : i32
    "tpu.region"() ({
      %run_scoped3A_115 = tpu.sem_alloc : memref<!tpu.dma_semaphore, #tpu.memory_space<semaphore_mem>>
      %dma_start3A_116 = arith.constant 0 : i32
      %dma_start3A_117 = arith.constant 0 : i32
      %dma_start3A_118 = tpu.memref_slice %arg6[%run_scoped3A_55, %dma_start3A_116, %dma_start3A_117] : memref<2x1280x32xf32, #tpu.memory_space<vmem>> -> memref<1x1280x32xf32, #tpu.memory_space<vmem>>
      %dma_start3A_119 = tpu.memref_squeeze %dma_start3A_118 : memref<1x1280x32xf32, #tpu.memory_space<vmem>> -> memref<1280x32xf32, #tpu.memory_space<vmem>>
      %dma_start3A_120 = arith.constant 0 : i32
      %dma_start3A_121 = tpu.memref_slice %arg4[%add3A_54, %dma_start3A_120] : memref<204800x32xf32, #tpu.memory_space<hbm>> -> memref<1280x32xf32, #tpu.memory_space<hbm>>
      %dma_start3A_122 = arith.constant 0 : i32
      %dma_start3A_123 = tpu.memref_slice %arg4[%add3A_54, %dma_start3A_122] : memref<204800x32xf32, #tpu.memory_space<hbm>> -> memref<1280x32xf32, #tpu.memory_space<hbm>>
      %dma_start3A_124 = arith.constant 0 : i32
      %dma_start3A_125 = arith.constant 0 : i32
      %dma_start3A_126 = tpu.memref_slice %arg6[%run_scoped3A_55, %dma_start3A_124, %dma_start3A_125] : memref<2x1280x32xf32, #tpu.memory_space<vmem>> -> memref<1x1280x32xf32, #tpu.memory_space<vmem>>
      %dma_start3A_127 = tpu.memref_squeeze %dma_start3A_126 : memref<1x1280x32xf32, #tpu.memory_space<vmem>> -> memref<1280x32xf32, #tpu.memory_space<vmem>>
      tpu.enqueue_dma source(%dma_start3A_127 : memref<1280x32xf32, #tpu.memory_space<vmem>>) target(%dma_start3A_123 : memref<1280x32xf32, #tpu.memory_space<hbm>>) target_semaphore(%run_scoped3A_115 : memref<!tpu.dma_semaphore, #tpu.memory_space<semaphore_mem>>)
      %dma_wait3A_128 = arith.constant 0 : i32
      %dma_wait3A_129 = arith.constant 0 : i32
      %dma_wait3A_130 = tpu.memref_slice %arg6[%run_scoped3A_55, %dma_wait3A_128, %dma_wait3A_129] : memref<2x1280x32xf32, #tpu.memory_space<vmem>> -> memref<1x1280x32xf32, #tpu.memory_space<vmem>>
      %dma_wait3A_131 = tpu.memref_squeeze %dma_wait3A_130 : memref<1x1280x32xf32, #tpu.memory_space<vmem>> -> memref<1280x32xf32, #tpu.memory_space<vmem>>
      %dma_wait3A_132 = arith.constant 0 : i32
      %dma_wait3A_133 = tpu.memref_slice %arg4[%add3A_54, %dma_wait3A_132] : memref<204800x32xf32, #tpu.memory_space<hbm>> -> memref<1280x32xf32, #tpu.memory_space<hbm>>
      %dma_wait3A_134 = arith.constant 0 : i32
      %dma_wait3A_135 = tpu.memref_slice %arg4[%add3A_54, %dma_wait3A_134] : memref<204800x32xf32, #tpu.memory_space<hbm>> -> memref<1280x32xf32, #tpu.memory_space<hbm>>
      %dma_wait3A_136 = arith.constant 0 : i32
      %dma_wait3A_137 = arith.constant 0 : i32
      %dma_wait3A_138 = tpu.memref_slice %arg6[%run_scoped3A_55, %dma_wait3A_136, %dma_wait3A_137] : memref<2x1280x32xf32, #tpu.memory_space<vmem>> -> memref<1x1280x32xf32, #tpu.memory_space<vmem>>
      %dma_wait3A_139 = tpu.memref_squeeze %dma_wait3A_138 : memref<1x1280x32xf32, #tpu.memory_space<vmem>> -> memref<1280x32xf32, #tpu.memory_space<vmem>>
      tpu.wait_dma2 semaphore(%run_scoped3A_115 : memref<!tpu.dma_semaphore, #tpu.memory_space<semaphore_mem>>) src(%dma_wait3A_139 : memref<1280x32xf32, #tpu.memory_space<vmem>>) dst(%dma_wait3A_135 : memref<1280x32xf32, #tpu.memory_space<hbm>>)
      tpu.yield
    }) : () -> ()
    %dma_start3A_56 = arith.constant 1 : i32
    %dma_start3A_57 = arith.constant 0 : i32
    %dma_start3A_58 = arith.constant 0 : i32
    %dma_start3A_59 = tpu.memref_slice %arg6[%dma_start3A_56, %dma_start3A_57, %dma_start3A_58] : memref<2x1280x32xf32, #tpu.memory_space<vmem>> -> memref<1x1280x32xf32, #tpu.memory_space<vmem>>
    %dma_start3A_60 = tpu.memref_squeeze %dma_start3A_59 : memref<1x1280x32xf32, #tpu.memory_space<vmem>> -> memref<1280x32xf32, #tpu.memory_space<vmem>>
    %dma_start3A_61 = arith.constant 3840 : i32
    %dma_start3A_62 = tpu.memref_slice %arg5[%dma_start3A_61] : memref<6400xi32, #tpu.memory_space<vmem>> -> memref<1280xi32, #tpu.memory_space<vmem>>
    %dma_start3A_63 = arith.constant 0 : i32
    %dma_start3A_64 = arith.constant 0 : i32
    %dma_start3A_65 = tpu.memref_slice %arg3[%dma_start3A_63, %dma_start3A_64] : memref<1048576x32xf32, #tpu.memory_space<hbm>> -> memref<1048576x32xf32, #tpu.memory_space<hbm>>
    tpu.enqueue_indirect_dma source(%dma_start3A_65 : memref<1048576x32xf32, #tpu.memory_space<hbm>>) target(%dma_start3A_60 : memref<1280x32xf32, #tpu.memory_space<vmem>>) offsets(%dma_start3A_62 : memref<1280xi32, #tpu.memory_space<vmem>>) semaphore(%arg8 : memref<!tpu.dma_semaphore, #tpu.memory_space<semaphore_mem>>)
    %dma_wait3A_66 = arith.constant 0 : i32
    %dma_wait3A_67 = arith.constant 0 : i32
    %dma_wait3A_68 = arith.constant 0 : i32
    %dma_wait3A_69 = tpu.memref_slice %arg6[%dma_wait3A_66, %dma_wait3A_67, %dma_wait3A_68] : memref<2x1280x32xf32, #tpu.memory_space<vmem>> -> memref<1x1280x32xf32, #tpu.memory_space<vmem>>
    %dma_wait3A_70 = tpu.memref_squeeze %dma_wait3A_69 : memref<1x1280x32xf32, #tpu.memory_space<vmem>> -> memref<1280x32xf32, #tpu.memory_space<vmem>>
    %dma_wait3A_71 = arith.constant 2560 : i32
    %dma_wait3A_72 = tpu.memref_slice %arg5[%dma_wait3A_71] : memref<6400xi32, #tpu.memory_space<vmem>> -> memref<1280xi32, #tpu.memory_space<vmem>>
    %dma_wait3A_73 = arith.constant 0 : i32
    %dma_wait3A_74 = arith.constant 0 : i32
    %dma_wait3A_75 = tpu.memref_slice %arg3[%dma_wait3A_73, %dma_wait3A_74] : memref<1048576x32xf32, #tpu.memory_space<hbm>> -> memref<1048576x32xf32, #tpu.memory_space<hbm>>
    tpu.wait_indirect_dma semaphore(%arg7 : memref<!tpu.dma_semaphore, #tpu.memory_space<semaphore_mem>>) src(%dma_wait3A_75 : memref<1048576x32xf32, #tpu.memory_space<hbm>>) dst(%dma_wait3A_70 : memref<1280x32xf32, #tpu.memory_space<vmem>>)
    %add3A_76 = arith.constant 2560 : i32
    %add3A_77 = arith.addi %mul3A_2, %add3A_76 : i32
    %run_scoped3A_78 = arith.constant 0 : i32
    "tpu.region"() ({
      %run_scoped3A_115 = tpu.sem_alloc : memref<!tpu.dma_semaphore, #tpu.memory_space<semaphore_mem>>
      %dma_start3A_116 = arith.constant 0 : i32
      %dma_start3A_117 = arith.constant 0 : i32
      %dma_start3A_118 = tpu.memref_slice %arg6[%run_scoped3A_78, %dma_start3A_116, %dma_start3A_117] : memref<2x1280x32xf32, #tpu.memory_space<vmem>> -> memref<1x1280x32xf32, #tpu.memory_space<vmem>>
      %dma_start3A_119 = tpu.memref_squeeze %dma_start3A_118 : memref<1x1280x32xf32, #tpu.memory_space<vmem>> -> memref<1280x32xf32, #tpu.memory_space<vmem>>
      %dma_start3A_120 = arith.constant 0 : i32
      %dma_start3A_121 = tpu.memref_slice %arg4[%add3A_77, %dma_start3A_120] : memref<204800x32xf32, #tpu.memory_space<hbm>> -> memref<1280x32xf32, #tpu.memory_space<hbm>>
      %dma_start3A_122 = arith.constant 0 : i32
      %dma_start3A_123 = tpu.memref_slice %arg4[%add3A_77, %dma_start3A_122] : memref<204800x32xf32, #tpu.memory_space<hbm>> -> memref<1280x32xf32, #tpu.memory_space<hbm>>
      %dma_start3A_124 = arith.constant 0 : i32
      %dma_start3A_125 = arith.constant 0 : i32
      %dma_start3A_126 = tpu.memref_slice %arg6[%run_scoped3A_78, %dma_start3A_124, %dma_start3A_125] : memref<2x1280x32xf32, #tpu.memory_space<vmem>> -> memref<1x1280x32xf32, #tpu.memory_space<vmem>>
      %dma_start3A_127 = tpu.memref_squeeze %dma_start3A_126 : memref<1x1280x32xf32, #tpu.memory_space<vmem>> -> memref<1280x32xf32, #tpu.memory_space<vmem>>
      tpu.enqueue_dma source(%dma_start3A_127 : memref<1280x32xf32, #tpu.memory_space<vmem>>) target(%dma_start3A_123 : memref<1280x32xf32, #tpu.memory_space<hbm>>) target_semaphore(%run_scoped3A_115 : memref<!tpu.dma_semaphore, #tpu.memory_space<semaphore_mem>>)
      %dma_wait3A_128 = arith.constant 0 : i32
      %dma_wait3A_129 = arith.constant 0 : i32
      %dma_wait3A_130 = tpu.memref_slice %arg6[%run_scoped3A_78, %dma_wait3A_128, %dma_wait3A_129] : memref<2x1280x32xf32, #tpu.memory_space<vmem>> -> memref<1x1280x32xf32, #tpu.memory_space<vmem>>
      %dma_wait3A_131 = tpu.memref_squeeze %dma_wait3A_130 : memref<1x1280x32xf32, #tpu.memory_space<vmem>> -> memref<1280x32xf32, #tpu.memory_space<vmem>>
      %dma_wait3A_132 = arith.constant 0 : i32
      %dma_wait3A_133 = tpu.memref_slice %arg4[%add3A_77, %dma_wait3A_132] : memref<204800x32xf32, #tpu.memory_space<hbm>> -> memref<1280x32xf32, #tpu.memory_space<hbm>>
      %dma_wait3A_134 = arith.constant 0 : i32
      %dma_wait3A_135 = tpu.memref_slice %arg4[%add3A_77, %dma_wait3A_134] : memref<204800x32xf32, #tpu.memory_space<hbm>> -> memref<1280x32xf32, #tpu.memory_space<hbm>>
      %dma_wait3A_136 = arith.constant 0 : i32
      %dma_wait3A_137 = arith.constant 0 : i32
      %dma_wait3A_138 = tpu.memref_slice %arg6[%run_scoped3A_78, %dma_wait3A_136, %dma_wait3A_137] : memref<2x1280x32xf32, #tpu.memory_space<vmem>> -> memref<1x1280x32xf32, #tpu.memory_space<vmem>>
      %dma_wait3A_139 = tpu.memref_squeeze %dma_wait3A_138 : memref<1x1280x32xf32, #tpu.memory_space<vmem>> -> memref<1280x32xf32, #tpu.memory_space<vmem>>
      tpu.wait_dma2 semaphore(%run_scoped3A_115 : memref<!tpu.dma_semaphore, #tpu.memory_space<semaphore_mem>>) src(%dma_wait3A_139 : memref<1280x32xf32, #tpu.memory_space<vmem>>) dst(%dma_wait3A_135 : memref<1280x32xf32, #tpu.memory_space<hbm>>)
      tpu.yield
    }) : () -> ()
    %dma_start3A_79 = arith.constant 0 : i32
    %dma_start3A_80 = arith.constant 0 : i32
    %dma_start3A_81 = arith.constant 0 : i32
    %dma_start3A_82 = tpu.memref_slice %arg6[%dma_start3A_79, %dma_start3A_80, %dma_start3A_81] : memref<2x1280x32xf32, #tpu.memory_space<vmem>> -> memref<1x1280x32xf32, #tpu.memory_space<vmem>>
    %dma_start3A_83 = tpu.memref_squeeze %dma_start3A_82 : memref<1x1280x32xf32, #tpu.memory_space<vmem>> -> memref<1280x32xf32, #tpu.memory_space<vmem>>
    %dma_start3A_84 = arith.constant 5120 : i32
    %dma_start3A_85 = tpu.memref_slice %arg5[%dma_start3A_84] : memref<6400xi32, #tpu.memory_space<vmem>> -> memref<1280xi32, #tpu.memory_space<vmem>>
    %dma_start3A_86 = arith.constant 0 : i32
    %dma_start3A_87 = arith.constant 0 : i32
    %dma_start3A_88 = tpu.memref_slice %arg3[%dma_start3A_86, %dma_start3A_87] : memref<1048576x32xf32, #tpu.memory_space<hbm>> -> memref<1048576x32xf32, #tpu.memory_space<hbm>>
    tpu.enqueue_indirect_dma source(%dma_start3A_88 : memref<1048576x32xf32, #tpu.memory_space<hbm>>) target(%dma_start3A_83 : memref<1280x32xf32, #tpu.memory_space<vmem>>) offsets(%dma_start3A_85 : memref<1280xi32, #tpu.memory_space<vmem>>) semaphore(%arg7 : memref<!tpu.dma_semaphore, #tpu.memory_space<semaphore_mem>>)
    %dma_wait3A_89 = arith.constant 1 : i32
    %dma_wait3A_90 = arith.constant 0 : i32
    %dma_wait3A_91 = arith.constant 0 : i32
    %dma_wait3A_92 = tpu.memref_slice %arg6[%dma_wait3A_89, %dma_wait3A_90, %dma_wait3A_91] : memref<2x1280x32xf32, #tpu.memory_space<vmem>> -> memref<1x1280x32xf32, #tpu.memory_space<vmem>>
    %dma_wait3A_93 = tpu.memref_squeeze %dma_wait3A_92 : memref<1x1280x32xf32, #tpu.memory_space<vmem>> -> memref<1280x32xf32, #tpu.memory_space<vmem>>
    %dma_wait3A_94 = arith.constant 3840 : i32
    %dma_wait3A_95 = tpu.memref_slice %arg5[%dma_wait3A_94] : memref<6400xi32, #tpu.memory_space<vmem>> -> memref<1280xi32, #tpu.memory_space<vmem>>
    %dma_wait3A_96 = arith.constant 0 : i32
    %dma_wait3A_97 = arith.constant 0 : i32
    %dma_wait3A_98 = tpu.memref_slice %arg3[%dma_wait3A_96, %dma_wait3A_97] : memref<1048576x32xf32, #tpu.memory_space<hbm>> -> memref<1048576x32xf32, #tpu.memory_space<hbm>>
    tpu.wait_indirect_dma semaphore(%arg8 : memref<!tpu.dma_semaphore, #tpu.memory_space<semaphore_mem>>) src(%dma_wait3A_98 : memref<1048576x32xf32, #tpu.memory_space<hbm>>) dst(%dma_wait3A_93 : memref<1280x32xf32, #tpu.memory_space<vmem>>)
    %add3A_99 = arith.constant 3840 : i32
    %add3A_100 = arith.addi %mul3A_2, %add3A_99 : i32
    %run_scoped3A_101 = arith.constant 1 : i32
    "tpu.region"() ({
      %run_scoped3A_115 = tpu.sem_alloc : memref<!tpu.dma_semaphore, #tpu.memory_space<semaphore_mem>>
      %dma_start3A_116 = arith.constant 0 : i32
      %dma_start3A_117 = arith.constant 0 : i32
      %dma_start3A_118 = tpu.memref_slice %arg6[%run_scoped3A_101, %dma_start3A_116, %dma_start3A_117] : memref<2x1280x32xf32, #tpu.memory_space<vmem>> -> memref<1x1280x32xf32, #tpu.memory_space<vmem>>
      %dma_start3A_119 = tpu.memref_squeeze %dma_start3A_118 : memref<1x1280x32xf32, #tpu.memory_space<vmem>> -> memref<1280x32xf32, #tpu.memory_space<vmem>>
      %dma_start3A_120 = arith.constant 0 : i32
      %dma_start3A_121 = tpu.memref_slice %arg4[%add3A_100, %dma_start3A_120] : memref<204800x32xf32, #tpu.memory_space<hbm>> -> memref<1280x32xf32, #tpu.memory_space<hbm>>
      %dma_start3A_122 = arith.constant 0 : i32
      %dma_start3A_123 = tpu.memref_slice %arg4[%add3A_100, %dma_start3A_122] : memref<204800x32xf32, #tpu.memory_space<hbm>> -> memref<1280x32xf32, #tpu.memory_space<hbm>>
      %dma_start3A_124 = arith.constant 0 : i32
      %dma_start3A_125 = arith.constant 0 : i32
      %dma_start3A_126 = tpu.memref_slice %arg6[%run_scoped3A_101, %dma_start3A_124, %dma_start3A_125] : memref<2x1280x32xf32, #tpu.memory_space<vmem>> -> memref<1x1280x32xf32, #tpu.memory_space<vmem>>
      %dma_start3A_127 = tpu.memref_squeeze %dma_start3A_126 : memref<1x1280x32xf32, #tpu.memory_space<vmem>> -> memref<1280x32xf32, #tpu.memory_space<vmem>>
      tpu.enqueue_dma source(%dma_start3A_127 : memref<1280x32xf32, #tpu.memory_space<vmem>>) target(%dma_start3A_123 : memref<1280x32xf32, #tpu.memory_space<hbm>>) target_semaphore(%run_scoped3A_115 : memref<!tpu.dma_semaphore, #tpu.memory_space<semaphore_mem>>)
      %dma_wait3A_128 = arith.constant 0 : i32
      %dma_wait3A_129 = arith.constant 0 : i32
      %dma_wait3A_130 = tpu.memref_slice %arg6[%run_scoped3A_101, %dma_wait3A_128, %dma_wait3A_129] : memref<2x1280x32xf32, #tpu.memory_space<vmem>> -> memref<1x1280x32xf32, #tpu.memory_space<vmem>>
      %dma_wait3A_131 = tpu.memref_squeeze %dma_wait3A_130 : memref<1x1280x32xf32, #tpu.memory_space<vmem>> -> memref<1280x32xf32, #tpu.memory_space<vmem>>
      %dma_wait3A_132 = arith.constant 0 : i32
      %dma_wait3A_133 = tpu.memref_slice %arg4[%add3A_100, %dma_wait3A_132] : memref<204800x32xf32, #tpu.memory_space<hbm>> -> memref<1280x32xf32, #tpu.memory_space<hbm>>
      %dma_wait3A_134 = arith.constant 0 : i32
      %dma_wait3A_135 = tpu.memref_slice %arg4[%add3A_100, %dma_wait3A_134] : memref<204800x32xf32, #tpu.memory_space<hbm>> -> memref<1280x32xf32, #tpu.memory_space<hbm>>
      %dma_wait3A_136 = arith.constant 0 : i32
      %dma_wait3A_137 = arith.constant 0 : i32
      %dma_wait3A_138 = tpu.memref_slice %arg6[%run_scoped3A_101, %dma_wait3A_136, %dma_wait3A_137] : memref<2x1280x32xf32, #tpu.memory_space<vmem>> -> memref<1x1280x32xf32, #tpu.memory_space<vmem>>
      %dma_wait3A_139 = tpu.memref_squeeze %dma_wait3A_138 : memref<1x1280x32xf32, #tpu.memory_space<vmem>> -> memref<1280x32xf32, #tpu.memory_space<vmem>>
      tpu.wait_dma2 semaphore(%run_scoped3A_115 : memref<!tpu.dma_semaphore, #tpu.memory_space<semaphore_mem>>) src(%dma_wait3A_139 : memref<1280x32xf32, #tpu.memory_space<vmem>>) dst(%dma_wait3A_135 : memref<1280x32xf32, #tpu.memory_space<hbm>>)
      tpu.yield
    }) : () -> ()
    %dma_wait3A_102 = arith.constant 0 : i32
    %dma_wait3A_103 = arith.constant 0 : i32
    %dma_wait3A_104 = arith.constant 0 : i32
    %dma_wait3A_105 = tpu.memref_slice %arg6[%dma_wait3A_102, %dma_wait3A_103, %dma_wait3A_104] : memref<2x1280x32xf32, #tpu.memory_space<vmem>> -> memref<1x1280x32xf32, #tpu.memory_space<vmem>>
    %dma_wait3A_106 = tpu.memref_squeeze %dma_wait3A_105 : memref<1x1280x32xf32, #tpu.memory_space<vmem>> -> memref<1280x32xf32, #tpu.memory_space<vmem>>
    %dma_wait3A_107 = arith.constant 5120 : i32
    %dma_wait3A_108 = tpu.memref_slice %arg5[%dma_wait3A_107] : memref<6400xi32, #tpu.memory_space<vmem>> -> memref<1280xi32, #tpu.memory_space<vmem>>
    %dma_wait3A_109 = arith.constant 0 : i32
    %dma_wait3A_110 = arith.constant 0 : i32
    %dma_wait3A_111 = tpu.memref_slice %arg3[%dma_wait3A_109, %dma_wait3A_110] : memref<1048576x32xf32, #tpu.memory_space<hbm>> -> memref<1048576x32xf32, #tpu.memory_space<hbm>>
    tpu.wait_indirect_dma semaphore(%arg7 : memref<!tpu.dma_semaphore, #tpu.memory_space<semaphore_mem>>) src(%dma_wait3A_111 : memref<1048576x32xf32, #tpu.memory_space<hbm>>) dst(%dma_wait3A_106 : memref<1280x32xf32, #tpu.memory_space<vmem>>)
    %add3A_112 = arith.constant 5120 : i32
    %add3A_113 = arith.addi %mul3A_2, %add3A_112 : i32
    %run_scoped3A_114 = arith.constant 0 : i32
    "tpu.region"() ({
      %run_scoped3A_115 = tpu.sem_alloc : memref<!tpu.dma_semaphore, #tpu.memory_space<semaphore_mem>>
      %dma_start3A_116 = arith.constant 0 : i32
      %dma_start3A_117 = arith.constant 0 : i32
      %dma_start3A_118 = tpu.memref_slice %arg6[%run_scoped3A_114, %dma_start3A_116, %dma_start3A_117] : memref<2x1280x32xf32, #tpu.memory_space<vmem>> -> memref<1x1280x32xf32, #tpu.memory_space<vmem>>
      %dma_start3A_119 = tpu.memref_squeeze %dma_start3A_118 : memref<1x1280x32xf32, #tpu.memory_space<vmem>> -> memref<1280x32xf32, #tpu.memory_space<vmem>>
      %dma_start3A_120 = arith.constant 0 : i32
      %dma_start3A_121 = tpu.memref_slice %arg4[%add3A_113, %dma_start3A_120] : memref<204800x32xf32, #tpu.memory_space<hbm>> -> memref<1280x32xf32, #tpu.memory_space<hbm>>
      %dma_start3A_122 = arith.constant 0 : i32
      %dma_start3A_123 = tpu.memref_slice %arg4[%add3A_113, %dma_start3A_122] : memref<204800x32xf32, #tpu.memory_space<hbm>> -> memref<1280x32xf32, #tpu.memory_space<hbm>>
      %dma_start3A_124 = arith.constant 0 : i32
      %dma_start3A_125 = arith.constant 0 : i32
      %dma_start3A_126 = tpu.memref_slice %arg6[%run_scoped3A_114, %dma_start3A_124, %dma_start3A_125] : memref<2x1280x32xf32, #tpu.memory_space<vmem>> -> memref<1x1280x32xf32, #tpu.memory_space<vmem>>
      %dma_start3A_127 = tpu.memref_squeeze %dma_start3A_126 : memref<1x1280x32xf32, #tpu.memory_space<vmem>> -> memref<1280x32xf32, #tpu.memory_space<vmem>>
      tpu.enqueue_dma source(%dma_start3A_127 : memref<1280x32xf32, #tpu.memory_space<vmem>>) target(%dma_start3A_123 : memref<1280x32xf32, #tpu.memory_space<hbm>>) target_semaphore(%run_scoped3A_115 : memref<!tpu.dma_semaphore, #tpu.memory_space<semaphore_mem>>)
      %dma_wait3A_128 = arith.constant 0 : i32
      %dma_wait3A_129 = arith.constant 0 : i32
      %dma_wait3A_130 = tpu.memref_slice %arg6[%run_scoped3A_114, %dma_wait3A_128, %dma_wait3A_129] : memref<2x1280x32xf32, #tpu.memory_space<vmem>> -> memref<1x1280x32xf32, #tpu.memory_space<vmem>>
      %dma_wait3A_131 = tpu.memref_squeeze %dma_wait3A_130 : memref<1x1280x32xf32, #tpu.memory_space<vmem>> -> memref<1280x32xf32, #tpu.memory_space<vmem>>
      %dma_wait3A_132 = arith.constant 0 : i32
      %dma_wait3A_133 = tpu.memref_slice %arg4[%add3A_113, %dma_wait3A_132] : memref<204800x32xf32, #tpu.memory_space<hbm>> -> memref<1280x32xf32, #tpu.memory_space<hbm>>
      %dma_wait3A_134 = arith.constant 0 : i32
      %dma_wait3A_135 = tpu.memref_slice %arg4[%add3A_113, %dma_wait3A_134] : memref<204800x32xf32, #tpu.memory_space<hbm>> -> memref<1280x32xf32, #tpu.memory_space<hbm>>
      %dma_wait3A_136 = arith.constant 0 : i32
      %dma_wait3A_137 = arith.constant 0 : i32
      %dma_wait3A_138 = tpu.memref_slice %arg6[%run_scoped3A_114, %dma_wait3A_136, %dma_wait3A_137] : memref<2x1280x32xf32, #tpu.memory_space<vmem>> -> memref<1x1280x32xf32, #tpu.memory_space<vmem>>
      %dma_wait3A_139 = tpu.memref_squeeze %dma_wait3A_138 : memref<1x1280x32xf32, #tpu.memory_space<vmem>> -> memref<1280x32xf32, #tpu.memory_space<vmem>>
      tpu.wait_dma2 semaphore(%run_scoped3A_115 : memref<!tpu.dma_semaphore, #tpu.memory_space<semaphore_mem>>) src(%dma_wait3A_139 : memref<1280x32xf32, #tpu.memory_space<vmem>>) dst(%dma_wait3A_135 : memref<1280x32xf32, #tpu.memory_space<hbm>>)
      tpu.yield
    }) : () -> ()
    return
  }
}

module attributes {stable_mosaic.version = 14 : i64} {
  func.func @_tp_body(%arg0: i32, %arg1: memref<32x16384xf32, #tpu.memory_space<vmem>>, %arg2: memref<32x16384xf32, #tpu.memory_space<vmem>>, %arg3: memref<32x16384xf32, #tpu.memory_space<vmem>>, %arg4: memref<32x16384xf32, #tpu.memory_space<vmem>>, %arg5: memref<16384x128xf32, #tpu.memory_space<vmem>>) attributes {dimension_semantics = [#tpu.dimension_semantics<arbitrary>], iteration_bounds = array<i64: 16>, scalar_prefetch = 0 : i64, scratch_operands = 0 : i64, tpu.core_type = #tpu.core_type<tc>, window_params = [{transform_indices = @transform_0, window_bounds = array<i64: 32, 16384>}, {transform_indices = @transform_1, window_bounds = array<i64: 32, 16384>}, {transform_indices = @transform_2, window_bounds = array<i64: 32, 16384>}, {transform_indices = @transform_3, window_bounds = array<i64: 32, 16384>}, {transform_indices = @transform_4, window_bounds = array<i64: 16384, 128>}]} {
    %get3A = arith.constant 0 : index
    %get3A_0 = arith.constant 0 : index
    %get3A_1 = vector.load %arg1[%get3A, %get3A_0] : memref<32x16384xf32, #tpu.memory_space<vmem>>, vector<32x16384xf32>
    %get3A_2 = arith.constant 0 : index
    %get3A_3 = arith.constant 0 : index
    %get3A_4 = vector.load %arg2[%get3A_2, %get3A_3] : memref<32x16384xf32, #tpu.memory_space<vmem>>, vector<32x16384xf32>
    %get3A_5 = arith.constant 0 : index
    %get3A_6 = arith.constant 0 : index
    %get3A_7 = vector.load %arg3[%get3A_5, %get3A_6] : memref<32x16384xf32, #tpu.memory_space<vmem>>, vector<32x16384xf32>
    %get3A_8 = arith.constant 0 : index
    %get3A_9 = arith.constant 0 : index
    %get3A_10 = vector.load %arg4[%get3A_8, %get3A_9] : memref<32x16384xf32, #tpu.memory_space<vmem>>, vector<32x16384xf32>
    %concatenate3A = tpu.concatenate %get3A_1, %get3A_4, %get3A_7, %get3A_10 in 0 : vector<32x16384xf32>, vector<32x16384xf32>, vector<32x16384xf32>, vector<32x16384xf32> -> vector<128x16384xf32>
    %transpose3A = tpu.transpose %concatenate3A, [1, 0] : vector<128x16384xf32> -> vector<16384x128xf32>
    %swap3A = arith.constant 0 : index
    %swap3A_11 = arith.constant 0 : index
    %swap3A_12 = vector.load %arg5[%swap3A, %swap3A_11] : memref<16384x128xf32, #tpu.memory_space<vmem>>, vector<16384x128xf32>
    tpu.vector_store %arg5[%swap3A, %swap3A_11], %transpose3A {strides = array<i32>} : memref<16384x128xf32, #tpu.memory_space<vmem>>, vector<16384x128xf32>,
    return
  }
  func.func @transform_0(%arg0: i32) -> (i32, i32) {
    %add3A = arith.constant 0 : i32
    %add3A_0 = arith.addi %add3A, %arg0 : i32
    %min3A = arith.constant 61 : i32
    %min3A_1 = arith.minsi %add3A_0, %min3A : i32
    %c0_i32 = arith.constant 0 : i32
    %c0_i32_2 = arith.constant 0 : i32
    return %c0_i32, %min3A_1 : i32, i32
  }
  func.func @transform_1(%arg0: i32) -> (i32, i32) {
    %add3A = arith.constant 16 : i32
    %add3A_0 = arith.addi %add3A, %arg0 : i32
    %min3A = arith.constant 61 : i32
    %min3A_1 = arith.minsi %add3A_0, %min3A : i32
    %c0_i32 = arith.constant 0 : i32
    %c0_i32_2 = arith.constant 0 : i32
    return %c0_i32, %min3A_1 : i32, i32
  }
  func.func @transform_2(%arg0: i32) -> (i32, i32) {
    %add3A = arith.constant 32 : i32
    %add3A_0 = arith.addi %add3A, %arg0 : i32
    %min3A = arith.constant 61 : i32
    %min3A_1 = arith.minsi %add3A_0, %min3A : i32
    %c0_i32 = arith.constant 0 : i32
    %c0_i32_2 = arith.constant 0 : i32
    return %c0_i32, %min3A_1 : i32, i32
  }
  func.func @transform_3(%arg0: i32) -> (i32, i32) {
    %add3A = arith.constant 48 : i32
    %add3A_0 = arith.addi %add3A, %arg0 : i32
    %min3A = arith.constant 61 : i32
    %min3A_1 = arith.minsi %add3A_0, %min3A : i32
    %c0_i32 = arith.constant 0 : i32
    %c0_i32_2 = arith.constant 0 : i32
    return %c0_i32, %min3A_1 : i32, i32
  }
  func.func @transform_4(%arg0: i32) -> (i32, i32) {
    %c0_i32 = arith.constant 0 : i32
    %c0_i32_0 = arith.constant 0 : i32
    return %arg0, %c0_i32 : i32, i32
  }
}

module attributes {stable_mosaic.version = 14 : i64} {
  func.func @_tpo_body(%arg0: i32, %arg1: memref<1024x1600xf32, #tpu.memory_space<vmem>>, %arg2: memref<1600x1024xf32, #tpu.memory_space<vmem>>) attributes {dimension_semantics = [#tpu.dimension_semantics<arbitrary>], iteration_bounds = array<i64: 4>, scalar_prefetch = 0 : i64, scratch_operands = 0 : i64, tpu.core_type = #tpu.core_type<tc>, window_params = [{transform_indices = @transform_0, window_bounds = array<i64: 1024, 1600>}, {transform_indices = @transform_1, window_bounds = array<i64: 1600, 1024>}]} {
    %get3A = arith.constant 0 : index
    %get3A_0 = arith.constant 0 : index
    %get3A_1 = vector.load %arg1[%get3A, %get3A_0] : memref<1024x1600xf32, #tpu.memory_space<vmem>>, vector<1024x1600xf32>
    %transpose3A = tpu.transpose %get3A_1, [1, 0] : vector<1024x1600xf32> -> vector<1600x1024xf32>
    %swap3A = arith.constant 0 : index
    %swap3A_2 = arith.constant 0 : index
    %swap3A_3 = vector.load %arg2[%swap3A, %swap3A_2] : memref<1600x1024xf32, #tpu.memory_space<vmem>>, vector<1600x1024xf32>
    tpu.vector_store %arg2[%swap3A, %swap3A_2], %transpose3A {strides = array<i32>} : memref<1600x1024xf32, #tpu.memory_space<vmem>>, vector<1600x1024xf32>,
    return
  }
  func.func @transform_0(%arg0: i32) -> (i32, i32) {
    %c0_i32 = arith.constant 0 : i32
    %c0_i32_0 = arith.constant 0 : i32
    return %arg0, %c0_i32 : i32, i32
  }
  func.func @transform_1(%arg0: i32) -> (i32, i32) {
    %c0_i32 = arith.constant 0 : i32
    %c0_i32_0 = arith.constant 0 : i32
    return %c0_i32, %arg0 : i32, i32
  }
}

</mosaic_0001>

<sc_bundles>
// kernel: kernel.5.cloned.1.call-start
scs
__scs_entry_jumppad:
0x0: {  	(pc) =	sbr.rel $0x88, $3  }
0x1: {  	(tag) =	ssettag $0x0;
	lr =	simm.s32 $0x1  }
0x2: {  	[smem:$0x3F9F] =	sst lr;
	_ =	strace $0xD0000000  }
0x3: {  	_ = 	snop  }
0x4: {  	_ = 	snop  }
0x5: {  	_ = 	snop  }
0x6: {  	_ = 	snop  }
0x7: {  	_ = 	snop  }
__scs_overlays_trampoline_lowered:
0x8: {  	[smem:$0x3FAE] =	sst s0  }
0x9: {  	[smem:$0x3FAF] =	sst s1  }
0xa: {  	[smem:$0x3FB0] =	sst s2  }
0xb: {  	[smem:$0x3FB1] =	sst s3  }
0xc: {  	[smem:$0x3FB2] =	sst s4  }
0xd: {  	[smem:$0x3FB3] =	sst s5  }
0xe: {  	[smem:$0x3FB4] =	sst s6  }
0xf: {  	[smem:$0x3FB5] =	sst s7  }
0x10: {  	[smem:$0x3FB6] =	sst s8  }
0x11: {  	[smem:$0x3FB7] =	sst s9;
	s0 =	simm.s32 @!p0 $0x0  }
0x12: {  	s1 =	sld [smem:$0x3F9D];
	s0 =	simm.s32 @p0 $0x1  }
0x13: {  	[smem:$0x3FB8] =	sst s0;
	s0 =	simm.s32 @!p1 $0x0  }
0x14: {  	s2 =	sld [smem:$0x3F9C];
	s0 =	simm.s32 @p1 $0x1  }
0x15: {  	[smem:$0x3FB9] =	sst s0;
	s0 =	simm.s32 @!p2 $0x0  }
0x16: {  	s3 =	sld [smem:$0x3FDB];
	s0 =	simm.s32 @p2 $0x1  }
0x17: {  	s4 =	simm.s32 $0x1BF5;
	[smem:$0x3FBB] =	sst s0  }
0x18: {  	s0 =	sld [smem:$0x3F9E];
	_ =	swait.ge [sflag:s4], $0x0  }
0x19: {  	s7 =	sld [smem:$0x3F9F]  }
0x1a: {  	s8 =	sadd.s32 $0xFFFFE003, lr  }
0x1b: {  	s9 =	sadd.s32 $0xFFFFFEF7, lr;
	s5 =	simm.s32 $0xFFFFFFFF;
	p2 =	slt.u32 s8, $0xFFFFF086  }
0x1c: {  	p1 =	slt.u32 s9, $0xF7A;
	s5 =	simm.s32 @!p2 $0x0  }
0x1d: {  	s5 =	simm.s32 @p1 $0x1;
	p0 =	seq.s32 s7, s2  }
0x1e: {  	s7 =	smul.u32 @!p0 $0xF7A, s2;
	p2 =	seq.s32 @!p0 s5, $0x0  }
0x1f: {  	s9 =	smul.u32 $0xF7A, s1;
	s8 =	simm.s32 @!p0 $0x1BF5;
	p2 =	por !p2, p0  }
0x20: {  	[sflag:s8] =	ssyncset.s32 @!p0 $0xFFFFF086;
	s6 =	sadd.s32 @!p0 s3, s7;
	s7 =	simm.s32 @!p0 $0x108  }
0x21: {  	s3 =	sadd.s32 s3, s9;
	s6 =	sadd.s32 @!p0 $0x88, s6;
	s7 =	simm.s32 @p2 $0x1082  }
0x22: {  	[simem:s7], [sflag:s8] =	dma.local @!p0 [hbm:s6], $0xF7A  }
0x23: {  	s9 =	sor.u32 $0xD0000000, s2;
	s6 =	simm.s32 $0x108;
	_ =	swait.ge @!p0 [sflag:s8], $0x0  }
0x24: {  	s3 =	sadd.s32 $0x88, s3;
	s6 =	simm.s32 @!p1 $0x1082;
	[sflag:s4] =	ssyncset.s32 $0xFFFFF086  }
0x25: {  	[simem:s6], [sflag:s4] =	dma.local [hbm:s3], $0xF7A  }
0x26: {  	[smem:$0x3F9F] =	sst s1;
	(tag) =	ssettag s2;
	_ =	strace s9  }
0x27: {  	s1 =	sld [smem:$0x3FAF]  }
0x28: {  	s2 =	sld [smem:$0x3FB0]  }
0x29: {  	s4 =	sld [smem:$0x3FB2]  }
0x2a: {  	p0 =	seq.s32 s5, $0x0;
	s5 =	sld [smem:$0x3FB3]  }
0x2b: {  	s6 =	sld [smem:$0x3FB4]  }
0x2c: {  	s7 =	sld [smem:$0x3FB5]  }
0x2d: {  	s3 =	simm.s32 $0x108;
	s8 =	sld [smem:$0x3FB6]  }
0x2e: {  	s3 =	simm.s32 @!p0 $0x1082;
	s9 =	sld [smem:$0x3FB7]  }
0x2f: {  	lr =	sadd.s32 s0, s3;
	s0 =	sld [smem:$0x3FAE]  }
0x30: {  	s3 =	sld [smem:$0x3FB1]  }
0x31: {  	[smem:$0x3FBA] =	sst s10  }
0x32: {  	s10 =	sld [smem:$0x3FB8];
	_ =	sdelay $0x3  }
0x33: {  	p0 =	seq.s32 s10, $0x1;
	s10 =	sld [smem:$0x3FBA];
	_ =	sdelay $0x3  }
0x34: {  	[smem:$0x3FBA] =	sst s10  }
0x35: {  	s10 =	sld [smem:$0x3FB9];
	_ =	sdelay $0x3  }
0x36: {  	p1 =	seq.s32 s10, $0x1;
	s10 =	sld [smem:$0x3FBA];
	_ =	sdelay $0x3  }
0x37: {  	[smem:$0x3FBA] =	sst s10  }
0x38: {  	s10 =	sld [smem:$0x3FBB]  }
0x39: {  	_ = 	snop;
	(pc) =	sbr.ind lr, $3  }
0x3a: {  	_ = 	snop  }
0x3b: {  	_ = 	snop  }
0x3c: {  	p2 =	seq.s32 s10, $0x1;
	s10 =	sld [smem:$0x3FBA]  }
0x3d: {  	_ =	shalt  }
0x3e: {  	_ =	shalt  }
0x3f: {  	_ =	shalt  }
0x40: {  	_ =	shalt  }
0x41: {  	_ =	shalt  }
0x42: {  	_ =	shalt  }
0x43: {  	_ =	shalt  }
0x44: {  	_ =	shalt  }
0x45: {  	_ =	shalt  }
0x46: {  	_ =	shalt  }
0x47: {  	_ =	shalt  }
0x48: {  	_ =	shalt  }
0x49: {  	_ =	shalt  }
0x4a: {  	_ =	shalt  }
0x4b: {  	_ =	shalt  }
0x4c: {  	_ =	shalt  }
0x4d: {  	_ =	shalt  }
0x4e: {  	_ =	shalt  }
0x4f: {  	_ =	shalt  }
0x50: {  	_ =	shalt  }
0x51: {  	_ =	shalt  }
0x52: {  	_ =	shalt  }
0x53: {  	_ =	shalt  }
0x54: {  	_ =	shalt  }
0x55: {  	_ =	shalt  }
0x56: {  	_ =	shalt  }
0x57: {  	_ =	shalt  }
0x58: {  	_ =	shalt  }
0x59: {  	_ =	shalt  }
0x5a: {  	_ =	shalt  }
0x5b: {  	_ =	shalt  }
0x5c: {  	_ =	shalt  }
0x5d: {  	_ =	shalt  }
0x5e: {  	_ =	shalt  }
0x5f: {  	_ =	shalt  }
0x60: {  	_ =	shalt  }
0x61: {  	_ =	shalt  }
0x62: {  	_ =	shalt  }
0x63: {  	_ =	shalt  }
0x64: {  	_ =	shalt  }
0x65: {  	_ =	shalt  }
0x66: {  	_ =	shalt  }
0x67: {  	_ =	shalt  }
0x68: {  	_ =	shalt  }
0x69: {  	_ =	shalt  }
0x6a: {  	_ =	shalt  }
0x6b: {  	_ =	shalt  }
0x6c: {  	_ =	shalt  }
0x6d: {  	_ =	shalt  }
0x6e: {  	_ =	shalt  }
0x6f: {  	_ =	shalt  }
0x70: {  	_ =	shalt  }
0x71: {  	_ =	shalt  }
0x72: {  	_ =	shalt  }
0x73: {  	_ =	shalt  }
0x74: {  	_ =	shalt  }
0x75: {  	_ =	shalt  }
0x76: {  	_ =	shalt  }
0x77: {  	_ =	shalt  }
0x78: {  	_ =	shalt  }
0x79: {  	_ =	shalt  }
0x7a: {  	_ =	shalt  }
0x7b: {  	_ =	shalt  }
0x7c: {  	_ =	shalt  }
0x7d: {  	_ =	shalt  }
0x7e: {  	_ =	shalt  }
0x7f: {  	_ =	shalt  }
0x80: {  	_ =	shalt  }
0x81: {  	_ =	shalt  }
0x82: {  	_ =	shalt  }
0x83: {  	_ =	shalt  }
0x84: {  	_ =	shalt  }
0x85: {  	_ =	shalt  }
0x86: {  	_ =	shalt  }
0x87: {  	_ =	shalt  }
.Lfunc_end0:
.L_simem_size_0:
called_computation_lowered:
.L_overlay_start_0:
0x88: {  	s2 =	sld [smem:$0x3FD9]  }
0x89: {  	s3 =	sld [smem:$0x3FFE];
	_ =	sdelay $0x1  }
0x8a: {  	s1 =	srdreg.scid  }
0x8b: {  	s0 =	sand.u32 $0x1, s1  }
0x8c: {  	s17 =	sshll.u32 s0, $0xA;
	s2 =	sadd.s32 s3, s2  }
0x8d: {  	s2 =	sadd.s32 s2, s17  }
0x8e: {  	[smem:$0x3FC6] =	sst s2  }
0x8f: {  	_ = 	snop  }
0x90: {  	s2 =	sld [smem:$0x3FD0];
	(tm) =	ssettm $0x1  }
0x91: {  	s18 =	sld [smem:$0x3FFB];
	_ =	sdelay $0x3  }
0x92: {  	_ =	strace s18  }
0x93: {  	s3 =	sld [smem:$0x3FFC];
	_ =	sdelay $0x3  }
0x94: {  	_ =	strace s3  }
0x95: {  	s3 =	sld [smem:$0x3FFD];
	_ =	sdelay $0x3  }
0x96: {  	_ =	strace s3  }
0x97: {  	_ =	strace $0x8FFFFFFF  }
0x98: {  	s19 =	sld [smem:$0x3FDB];
	_ =	sdelay $0x1  }
0x99: {  	s4 =	simm.s32 $_scs_section_size  }
0x9a: {  	s5 =	simm.s32 $_size__tile_overlayer_lowered;
	s6 =	simm.s32 $_tile_overlayer_lowered  }
0x9b: {  	s22 =	simm.s32 $0x1BFF;
	s21 =	sshll.u32 s6, $0x1;
	s3 =	sadd.s32 s4, s19  }
0x9c: {  	s7 =	simm.s32 $0x0;
	s20 =	sshll.u32 s5, $0x1;
	s5 =	sadd.s32 s21, s3  }
0x9d: {  	[timem:s7], [sflag:s22] =	dma.local [hbm:s5], s20  }
0x9e: {  	_ =	swait.ge [sflag:s22], s20  }
0x9f: {  	s4 =	ssub.s32 $0x0, s20;
	[sflag:s22] =	ssyncset.done $0x0  }
0xa0: {  	[sflag:s22] =	ssyncadd.s32 s4;
	_ =	sdelay $0x1  }
0xa1: {  	s23 =	simm.s32 $0x1B8B  }
0xa2: {  	_ =	swait.ge [sflag:s23], $0x1  }
0xa3: {  	[sflag:s23] =	ssyncset.done $0x0  }
0xa4: {  	s25 =	simm.s32 $0x1B8E;
	s24 =	sld [smem:$0x3FFE];
	[sflag:s23] =	ssyncadd.s32 $0xFFFFFFFF  }
0xa5: {  	s26 =	simm.s32 $execute0_lowered;
	[smem:$0x3FD2] =	sst s25  }
0xa6: {  	s5 =	sshll.u32 s26, $0x1;
	_ =	strace $0x80000046;
	[dreg:$0x1] =	wrdreg $0xFFFFFFFF  }
0xa7: {  	s28 =	simm.s32 $_size_execute0_lowered;
	s3 =	sadd.s32 s3, s5;
	[dreg:$0x0] =	wrdreg $0x0  }
0xa8: {  	s5 =	sshll.u32 s28, $0x1;
	[dreg:$0x2] =	wrdreg s3  }
0xa9: {  	[dreg:$0x3] =	wrdreg s5  }
0xaa: {  	[dreg:$0x4] =	wrdreg $0xC0  }
0xab: {  	_ =	task [dreg:s7], $0x5FFFF  }
0xac: {  	[dreg:$0x1] =	wrdreg $0xFFFFFFFF  }
0xad: {  	[dreg:$0x0] =	wrdreg $0x60  }
0xae: {  	[dreg:$0x2] =	wrdreg s24  }
0xaf: {  	[dreg:$0x3] =	wrdreg s2  }
0xb0: {  	[dreg:$0x4] =	wrdreg $0x9  }
0xb1: {  	_ =	task.clear_ibuf [dreg:s7], $0x5FFFF;
	_ =	strace $0x90000046  }
0xb2: {  	s29 =	simm.s32 $0x9;
	_ =	strace $0x80000048  }
0xb3: {  	_ =	swait.ge [sflag:s29], $0x1  }
0xb4: {  	[sflag:s29] =	ssyncadd.s32 $0xFFFFFFFF  }
0xb5: {  	_ =	strace $0x90000048  }
0xb6: {  	_ =	sfence  }
0xb7: {  	s30 =	sld [smem:$0x0];
	_ =	sdelay $0x2  }
0xb8: {  	s31 =	sshll.u32 s1, $0xD;
	s1 =	sshrl.u32 s1, $0x2  }
0xb9: {  	s3 =	sand.u32 $0x4000, s31;
	s1 =	sadd.s32 s1, s30  }
0xba: {  	s0 =	sor.u32 s3, s0;
	s1 =	sshll.u32 s1, $0x11  }
0xbb: {  	s0 =	sor.u32 s1, s0  }
0xbc: {  	s0 =	sadd.s32 $0x8F2B, s0  }
0xbd: {  	[sflag:s0] =	ssyncadd.remote.s32 $0x1  }
0xbe: {  	_ =	sfence.sel $0xFFFF  }
0xbf: {  	[dreg:$0x0] =	wrdreg $0xFFFFFFFF;
	(pc) =	sbr.abs _section_cstart, $3  }
0xc0: {  	[dreg:$0x1] =	wrdreg $0xFFFFFFFF  }
0xc1: {  	_ =	task.clear_ibuf [dreg:s7], $0x2FFFF;
	_ =	strace $0x9FFFFFFF  }
0xc2: {  	(tm) =	ssettm $0x7FFFFFFF  }
0xc3: {  	_ =	shalt  }
tec
execute0_lowered:
.L_overlay_start_1:
0x0: {  	(tag) =	ssettag $0x1  }
0x1: {  	s1 =	srdreg.scid;
	s0 =	stileid.u32  }
0x2: {  	s18 =	sand.u32 $0x1, s1;
	s30 =	sshll.u32 s0, $0x1  }
0x3: {  	s5 =	rddreg [dreg:$0x0];
	s11 =	sor.u32 s18, s30  }
0x4: {  	s13 =	rddreg [dreg:$0x1];
	s3 =	smul.u32 $0x320, s11  }
0x5: {  	s2 =	simm.s32 $0x0;
	s1 =	rddreg [dreg:$0x2]  }
0x6: {  	[smem:$0x7FF] =	sst s2;
	s3 =	sadd.s32 s3, s5  }
0x7: {  	_ =	strace $0x80000047;
	s4 =	sadd.s32 $0x400, s3;
	s3 =	simm.s32 $0x3  }
0x8: {  	[tilespmem:s2], [sflag:$0x3] =	stream.linear.gather [hbm4b:s4+s2], $0x1900, $0x38;
	[tilespmem:$0x15900] =	vst v63  }
0x9: {  	_ =	swait.ge [sflag:s3], $0x1900  }
0xa: {  	s6 =	simm.s32 $0x500;
	[sflag:s3] =	ssyncset.done $0x0  }
0xb: {  	s7 =	simm.s32 $0x1900;
	s5 =	sadd.s32 $0x6800, s5;
	[sflag:s3] =	ssyncadd.s32 $0xFFFFE700  }
0xc: {  	[tilespmem:s7], [sflag:$0x1] =	stream.indirect.gather [hbm4b:s5+s6], $0x20, s2, s6, $0xb8;
	[tilespmem:$0x15900] =	vst v63  }
0xd: {  	s8 =	simm.s32 $0xB900;
	s9 =	simm.s32 $0x1  }
0xe: {  	[tilespmem:s8], [sflag:$0x2] =	stream.indirect.gather [hbm4b:s5+s6], $0x20, s6, s6, $0xb8;
	[tilespmem:$0x15900] =	vst v63  }
0xf: {  	s10 =	smul.u32 $0x6400, s11;
	_ =	swait.ge [sflag:s9], $0xA000  }
0x10: {  	[sflag:s9] =	ssyncset.done $0x0  }
0x11: {  	s10 =	sadd.s32 s13, s10;
	[sflag:s9] =	ssyncadd.s32 $0xFFFF6000  }
0x12: {  	[hbm4b:s10+s2] =	stream.linear.scatter [tilespmem:s7], [sflag:$0x3], $0xA000, $0x38;
	[tilespmem:$0x15900] =	vst v63  }
0x13: {  	_ =	swait.ge [sflag:s3], $0xA000  }
0x14: {  	s12 =	simm.s32 $0x2;
	[sflag:s3] =	ssyncset.done $0x0  }
0x15: {  	s14 =	smul.u32 $0x32000, s11;
	s11 =	simm.s32 $0xA00;
	[sflag:s3] =	ssyncadd.s32 $0xFFFF6000  }
0x16: {  	[tilespmem:s7], [sflag:$0x1] =	stream.indirect.gather [hbm4b:s5+s6], $0x20, s11, s6, $0xb8;
	[tilespmem:$0x15900] =	vst v63  }
0x17: {  	s14 =	sshrl.u32 s14, $0x3;
	_ =	swait.ge [sflag:s12], $0xA000  }
0x18: {  	s19 =	sadd.s32 s13, s14;
	[sflag:s12] =	ssyncset.done $0x0  }
0x19: {  	s13 =	sadd.s32 $0x1400, s19;
	[sflag:s12] =	ssyncadd.s32 $0xFFFF6000  }
0x1a: {  	[hbm4b:s13+s2] =	stream.linear.scatter [tilespmem:s8], [sflag:$0x3], $0xA000, $0x38;
	[tilespmem:$0x15900] =	vst v63  }
0x1b: {  	_ =	swait.ge [sflag:s3], $0xA000  }
0x1c: {  	[sflag:s3] =	ssyncset.done $0x0  }
0x1d: {  	s14 =	simm.s32 $0xF00;
	[sflag:s3] =	ssyncadd.s32 $0xFFFF6000  }
0x1e: {  	[tilespmem:s8], [sflag:$0x2] =	stream.indirect.gather [hbm4b:s5+s6], $0x20, s14, s6, $0xb8;
	[tilespmem:$0x15900] =	vst v63  }
0x1f: {  	_ =	swait.ge [sflag:s9], $0xA000  }
0x20: {  	[sflag:s9] =	ssyncset.done $0x0  }
0x21: {  	s15 =	sadd.s32 $0x2800, s19;
	[sflag:s9] =	ssyncadd.s32 $0xFFFF6000  }
0x22: {  	[hbm4b:s15+s2] =	stream.linear.scatter [tilespmem:s7], [sflag:$0x3], $0xA000, $0x38;
	[tilespmem:$0x15900] =	vst v63  }
0x23: {  	_ =	swait.ge [sflag:s3], $0xA000  }
0x24: {  	[sflag:s3] =	ssyncset.done $0x0  }
0x25: {  	s16 =	simm.s32 $0x1400;
	[sflag:s3] =	ssyncadd.s32 $0xFFFF6000  }
0x26: {  	[tilespmem:s7], [sflag:$0x1] =	stream.indirect.gather [hbm4b:s5+s6], $0x20, s16, s6, $0xb8;
	[tilespmem:$0x15900] =	vst v63  }
0x27: {  	_ =	swait.ge [sflag:s12], $0xA000  }
0x28: {  	[sflag:s12] =	ssyncset.done $0x0  }
0x29: {  	s18 =	ssub.s32 $0x2, s18;
	s17 =	sadd.s32 $0x3C00, s19;
	[sflag:s12] =	ssyncadd.s32 $0xFFFF6000  }
0x2a: {  	[hbm4b:s17+s2] =	stream.linear.scatter [tilespmem:s8], [sflag:$0x3], $0xA000, $0x38;
	[tilespmem:$0x15900] =	vst v63  }
0x2b: {  	s20 =	sshrl.u32 s18, $0x1;
	_ =	swait.ge [sflag:s3], $0xA000  }
0x2c: {  	s20 =	ssub.s32 s18, s20;
	[sflag:s3] =	ssyncset.done $0x0  }
0x2d: {  	s31 =	smax.u32 s20, $0x1;
	[sflag:s3] =	ssyncadd.s32 $0xFFFF6000  }
0x2e: {  	p0 =	sne.s32 s31, $0x1;
	_ =	swait.ge [sflag:s9], $0xA000  }
.Ltmp0:
0x2f: {  	[sflag:s9] =	ssyncset.done $0x0;
	(pc) =	sbr.rel @!p0 .LBB2_2-.Ltmp0, $4  }
0x30: {  	s18 =	sadd.s32 $0x5000, s19;
	[sflag:s9] =	ssyncadd.s32 $0xFFFF6000  }
0x31: {  	[hbm4b:s18+s2] =	stream.linear.scatter [tilespmem:s7], [sflag:$0x3], $0xA000, $0x38;
	[tilespmem:$0x15900] =	vst v63  }
0x32: {  	_ =	swait.ge [sflag:s3], $0xA000  }
0x33: {  	s19 =	sadd.s32 $0xFFFFFFFF, s31;
	[sflag:s3] =	ssyncset.done $0x0  }
.LBB2_1:
0x34: {  	p0 =	sne.s32 s19, $0x1;
	s19 =	sadd.s32 $0xFFFFFFFF, s19;
	[sflag:s3] =	ssyncadd.s32 $0xFFFF6000  }
0x35: {  	[tilespmem:s2], [sflag:$0x3] =	stream.linear.gather [hbm4b:s4+s2], $0x1900, $0x38;
	[tilespmem:$0x15900] =	vst v63  }
0x36: {  	_ =	swait.ge [sflag:s3], $0x1900  }
0x37: {  	[sflag:s3] =	ssyncset.done $0x0  }
0x38: {  	[sflag:s3] =	ssyncadd.s32 $0xFFFFE700  }
0x39: {  	[tilespmem:s7], [sflag:$0x1] =	stream.indirect.gather [hbm4b:s5+s6], $0x20, s2, s6, $0xb8;
	[tilespmem:$0x15900] =	vst v63  }
0x3a: {  	_ = 	snop  }
0x3b: {  	[tilespmem:s8], [sflag:$0x2] =	stream.indirect.gather [hbm4b:s5+s6], $0x20, s6, s6, $0xb8;
	[tilespmem:$0x15900] =	vst v63  }
0x3c: {  	_ =	swait.ge [sflag:s9], $0xA000  }
0x3d: {  	[sflag:s9] =	ssyncset.done $0x0  }
0x3e: {  	[sflag:s9] =	ssyncadd.s32 $0xFFFF6000  }
0x3f: {  	[hbm4b:s10+s2] =	stream.linear.scatter [tilespmem:s7], [sflag:$0x3], $0xA000, $0x38;
	[tilespmem:$0x15900] =	vst v63  }
0x40: {  	_ =	swait.ge [sflag:s3], $0xA000  }
0x41: {  	[sflag:s3] =	ssyncset.done $0x0  }
0x42: {  	[sflag:s3] =	ssyncadd.s32 $0xFFFF6000  }
0x43: {  	[tilespmem:s7], [sflag:$0x1] =	stream.indirect.gather [hbm4b:s5+s6], $0x20, s11, s6, $0xb8;
	[tilespmem:$0x15900] =	vst v63  }
0x44: {  	_ =	swait.ge [sflag:s12], $0xA000  }
0x45: {  	[sflag:s12] =	ssyncset.done $0x0  }
0x46: {  	[sflag:s12] =	ssyncadd.s32 $0xFFFF6000  }
0x47: {  	[hbm4b:s13+s2] =	stream.linear.scatter [tilespmem:s8], [sflag:$0x3], $0xA000, $0x38;
	[tilespmem:$0x15900] =	vst v63  }
0x48: {  	_ =	swait.ge [sflag:s3], $0xA000  }
0x49: {  	[sflag:s3] =	ssyncset.done $0x0  }
0x4a: {  	[sflag:s3] =	ssyncadd.s32 $0xFFFF6000  }
0x4b: {  	[tilespmem:s8], [sflag:$0x2] =	stream.indirect.gather [hbm4b:s5+s6], $0x20, s14, s6, $0xb8;
	[tilespmem:$0x15900] =	vst v63  }
0x4c: {  	_ =	swait.ge [sflag:s9], $0xA000  }
0x4d: {  	[sflag:s9] =	ssyncset.done $0x0  }
0x4e: {  	[sflag:s9] =	ssyncadd.s32 $0xFFFF6000  }
0x4f: {  	[hbm4b:s15+s2] =	stream.linear.scatter [tilespmem:s7], [sflag:$0x3], $0xA000, $0x38;
	[tilespmem:$0x15900] =	vst v63  }
0x50: {  	_ =	swait.ge [sflag:s3], $0xA000  }
0x51: {  	[sflag:s3] =	ssyncset.done $0x0  }
0x52: {  	[sflag:s3] =	ssyncadd.s32 $0xFFFF6000  }
0x53: {  	[tilespmem:s7], [sflag:$0x1] =	stream.indirect.gather [hbm4b:s5+s6], $0x20, s16, s6, $0xb8;
	[tilespmem:$0x15900] =	vst v63  }
0x54: {  	_ =	swait.ge [sflag:s12], $0xA000  }
0x55: {  	[sflag:s12] =	ssyncset.done $0x0  }
0x56: {  	[sflag:s12] =	ssyncadd.s32 $0xFFFF6000  }
0x57: {  	[hbm4b:s17+s2] =	stream.linear.scatter [tilespmem:s8], [sflag:$0x3], $0xA000, $0x38;
	[tilespmem:$0x15900] =	vst v63  }
0x58: {  	_ =	swait.ge [sflag:s3], $0xA000  }
0x59: {  	[sflag:s3] =	ssyncset.done $0x0  }
0x5a: {  	[sflag:s3] =	ssyncadd.s32 $0xFFFF6000  }
0x5b: {  	_ =	swait.ge [sflag:s9], $0xA000  }
.Ltmp1:
0x5c: {  	[sflag:s9] =	ssyncset.done $0x0;
	(pc) =	sbr.rel @p0 .LBB2_1-.Ltmp1, $4  }
0x5d: {  	[sflag:s9] =	ssyncadd.s32 $0xFFFF6000  }
0x5e: {  	[hbm4b:s18+s2] =	stream.linear.scatter [tilespmem:s7], [sflag:$0x3], $0xA000, $0x38;
	[tilespmem:$0x15900] =	vst v63  }
0x5f: {  	_ =	swait.ge [sflag:s3], $0xA000  }
0x60: {  	[sflag:s3] =	ssyncset.done $0x0  }
.LBB2_2:
0x61: {  	[sflag:s3] =	ssyncadd.s32 $0xFFFF6000  }
0x62: {  	_ =	sfence.sel $0x180000  }
0x63: {  	[bflag:$0x0] =	sbarrier.arrive $0xFFFF  }
0x64: {  	p0 =	sne.s32 s0, $0x0;
	_ =	strace $0x90000047  }
0x65: {  	s0 =	sadd.s32 @!p0 $0x100000, s1;
	[bflag:$0x2] =	sbarrier.arrive $0xFFFF  }
0x66: {  	[sflag:s0] =	ssyncadd.tile.s32 @!p0 $0x1;
	_ =	shalt  }
.Lfunc_end2:
_tile_overlayer_lowered:
.L_overlay_start_2:
0x67: {  	(tag) =	ssettag $0x2  }
0x68: {  	s0 =	rddreg [dreg:$0x0];
	s2 =	stileid.u32  }
0x69: {  	s1 =	rddreg [dreg:$0x1];
	p0 =	sne.s32 s2, $0x0  }
0x6a: {  	s3 =	rddreg [dreg:$0x2];
	[bflag:$0x3] =	sbarrier.arrive $0xFFFF;
	s2 =	simm.s32 @!p0 $0x1C03  }
0x6b: {  	[timem:s3], [sflag:s2] =	dma.local @!p0 [hbm:s0], s1  }
0x6c: {  	s0 =	simm.s32 @!p0 $0x3  }
0x6d: {  	_ =	swait.ge @!p0 [sflag:s0], s1  }
0x6e: {  	s1 =	ssub.s32 @!p0 $0x0, s1;
	[sflag:s0] =	ssyncset.done @!p0 $0x0  }
0x6f: {  	[sflag:s0] =	ssyncadd.s32 @!p0 s1  }
0x70: {  	[bflag:$0x3] =	sbarrier.arrive $0xFFFF  }
0x71: {  	_ =	shalt  }

</sc_bundles>
